<compile_context>
chip_gen: v7x
topology: tpu7x:2x2x1
jax: 0.10.2.dev20260603
libtpu: 0.0.44.dev20260713+nightly
codegen_flags: <defaults>
</compile_context>

<pallas_src>
import jax
import jax.numpy as jnp
from jax import lax
from jax.experimental import pallas as pl
from jax.experimental.pallas import tpu as pltpu
from jax.experimental.pallas import tpu_sc as plsc

_BINS = (1, 2, 3, 4, 8, 16, 32, 64, 128, 256, 384)

_B = 16384
_D = 20
_NC, _NS, _L = 2, 16, 16
_NW = _NC * _NS
_BPW = _B // _NW


_STR = 21


def _body(len_hbm, tab_hbm, out_hbm, len_v, tab_v, tabs_v, out_v):
    wid = lax.axis_index("s") * _NC + lax.axis_index("c")
    base = wid * _BPW
    pltpu.sync_copy(len_hbm.at[pl.ds(base, _BPW)], len_v)
    pltpu.sync_copy(tab_hbm, tab_v)
    for r in range(12):
        tabs_v[pl.ds(_STR * r, _L)] = tab_v[r, pl.ds(0, _L)]
        tabs_v[pl.ds(_STR * r + (_D - _L), _L)] = tab_v[r, pl.ds(_D - _L, _L)]

    def blk(j, carry):
        v = len_v[pl.ds(j * _L, _L)]
        idx = lax.shift_right_logical(_BINS[0] - v, 31)
        for b in _BINS[1:]:
            idx = idx + lax.shift_right_logical(b - v, 31)
        g = idx * _STR
        for d in range(_D):
            out_v[d, pl.ds(j * _L, _L)] = plsc.load_gather(tabs_v, [g + d])
        return carry

    pltpu.sync_copy(out_v, out_hbm.at[:, pl.ds(base, _BPW)])


def kernel(lengths, table):
    mesh = plsc.VectorSubcoreMesh(core_axis_name="c", subcore_axis_name="s")
    out_t = pl.kernel(
        _body,
        out_type=jax.ShapeDtypeStruct((_D, _B), jnp.float32),
        mesh=mesh,
        scratch_types=[
            pltpu.VMEM((_BPW,), jnp.int32),
            pltpu.VMEM((12, _D), jnp.float32),
            pltpu.VMEM((256,), jnp.float32),
            pltpu.VMEM((_D, _BPW), jnp.float32),
        ],
        compiler_params=pltpu.CompilerParams(needs_layout_passes=False),
    )(lengths, table)
    return jnp.swapaxes(out_t, 0, 1)

# --- scband reference (transcript-rebuilt; emitter-appended) ---
"""Pipeline reference for scband-distance-61718680043988 (READ-ONLY COPY).

The authoritative reference and input builder live on the scoring server;
editing this copy changes nothing except your own understanding.
"""

import jax, jax.numpy as jnp
import numpy as np

BINS = [1, 2, 3, 4, 8, 16, 32, 64, 128, 256, 384]


def setup_inputs(seed: int = 0) -> dict:
    key = jax.random.key(seed)
    k1, k2 = jax.random.split(key)
    lengths = jax.random.randint(k1, (16384,), 0, 512, dtype=jnp.int32)
    # Embedding table: num_embeddings = len(bins) + 1 = 12, dim = 20
    table = jax.random.normal(k2, (12, 20), dtype=jnp.float32)
    return {"lengths": lengths, "table": table}


def reference(lengths, table):
    # stoi: find which bin each length falls into
    bins = jnp.asarray(BINS, dtype=lengths.dtype)
    idx = jnp.sum(lengths[:, None] > bins[None, :], axis=1)
    # embedding lookup (dropout is identity in eval mode)
    return jnp.take(table, idx, axis=0)

if __name__ == "__main__":
    import jax
    _d = setup_inputs()
    print(jax.jit(kernel)(*tuple(_d.values())))

</pallas_src>

<mosaic_0001>
#map = affine_map<(d0, d1) -> (0)>
#map1 = affine_map<(d0, d1) -> (0, 0)>
module attributes {stable_mosaic.version = 14 : i64} {
  func.func @_body(%arg0: i32, %arg1: i32, %arg2: memref<16384xi32, #tpu.memory_space<hbm>>, %arg3: memref<12x20xf32, #tpu.memory_space<hbm>>, %arg4: memref<20x16384xf32, #tpu.memory_space<hbm>>, %arg5: memref<512xi32, #tpu.memory_space<vmem>>, %arg6: memref<12x20xf32, #tpu.memory_space<vmem>>, %arg7: memref<256xf32, #tpu.memory_space<vmem>>, %arg8: memref<20x512xf32, #tpu.memory_space<vmem>>) attributes {dimension_semantics = [#tpu.dimension_semantics<core_parallel>, #tpu.dimension_semantics<subcore_parallel>], iteration_bounds = array<i64: 2, 16>, scalar_prefetch = 0 : i64, scratch_operands = 4 : i64, tpu.core_type = #tpu.core_type<sc_vector_subcore>, window_params = [{transform_indices = #map}, {transform_indices = #map1}, {transform_indices = #map1}]} {
    %mul3A = arith.constant 2 : i32
    %mul3A_0 = arith.muli %arg1, %mul3A : i32
    %add3A = arith.addi %mul3A_0, %arg0 : i32
    %mul3A_1 = arith.constant 512 : i32
    %mul3A_2 = arith.muli %add3A, %mul3A_1 : i32
    "tpu.region"() ({
      %run_scoped3A = tpu.sem_alloc : memref<!tpu.dma_semaphore, #tpu.memory_space<semaphore_mem>>
      %dma_start3A = tpu.memref_slice %arg2[%mul3A_2] : memref<16384xi32, #tpu.memory_space<hbm>> -> memref<512xi32, #tpu.memory_space<hbm>>
      %dma_start3A_145 = tpu.memref_slice %arg2[%mul3A_2] : memref<16384xi32, #tpu.memory_space<hbm>> -> memref<512xi32, #tpu.memory_space<hbm>>
      tpu.enqueue_dma source(%dma_start3A_145 : memref<512xi32, #tpu.memory_space<hbm>>) target(%arg5 : memref<512xi32, #tpu.memory_space<vmem>>) target_semaphore(%run_scoped3A : memref<!tpu.dma_semaphore, #tpu.memory_space<semaphore_mem>>)
      %dma_wait3A = tpu.memref_slice %arg2[%mul3A_2] : memref<16384xi32, #tpu.memory_space<hbm>> -> memref<512xi32, #tpu.memory_space<hbm>>
      %dma_wait3A_146 = tpu.memref_slice %arg2[%mul3A_2] : memref<16384xi32, #tpu.memory_space<hbm>> -> memref<512xi32, #tpu.memory_space<hbm>>
      tpu.wait_dma2 semaphore(%run_scoped3A : memref<!tpu.dma_semaphore, #tpu.memory_space<semaphore_mem>>) src(%dma_wait3A_146 : memref<512xi32, #tpu.memory_space<hbm>>) dst(%arg5 : memref<512xi32, #tpu.memory_space<vmem>>)
      tpu.yield
    }) : () -> ()
    "tpu.region"() ({
      %run_scoped3A = tpu.sem_alloc : memref<!tpu.dma_semaphore, #tpu.memory_space<semaphore_mem>>
      tpu.enqueue_dma source(%arg3 : memref<12x20xf32, #tpu.memory_space<hbm>>) target(%arg6 : memref<12x20xf32, #tpu.memory_space<vmem>>) target_semaphore(%run_scoped3A : memref<!tpu.dma_semaphore, #tpu.memory_space<semaphore_mem>>)
      tpu.wait_dma2 semaphore(%run_scoped3A : memref<!tpu.dma_semaphore, #tpu.memory_space<semaphore_mem>>) src(%arg3 : memref<12x20xf32, #tpu.memory_space<hbm>>) dst(%arg6 : memref<12x20xf32, #tpu.memory_space<vmem>>)
      tpu.yield
    }) : () -> ()
    %get3A = arith.constant 0 : i32
    %get3A_3 = arith.index_cast %get3A : i32 to index
    %get3A_4 = arith.constant 0 : index
    %get3A_5 = tpu.vector_load %arg6[%get3A_3, %get3A_4] {strides = array<i32>} : memref<12x20xf32, #tpu.memory_space<vmem>>, vector<16xf32>,
    %swap3A = arith.constant 0 : index
    %swap3A_6 = tpu.vector_load %arg7[%swap3A] {strides = array<i32>} : memref<256xf32, #tpu.memory_space<vmem>>, vector<16xf32>,
    tpu.vector_store %arg7[%swap3A], %get3A_5 {strides = array<i32>} : memref<256xf32, #tpu.memory_space<vmem>>, vector<16xf32>,
    %get3A_7 = arith.constant 0 : i32
    %get3A_8 = arith.index_cast %get3A_7 : i32 to index
    %get3A_9 = arith.constant 4 : index
    %get3A_10 = tpu.vector_load %arg6[%get3A_8, %get3A_9] {strides = array<i32>} : memref<12x20xf32, #tpu.memory_space<vmem>>, vector<16xf32>,
    %swap3A_11 = arith.constant 4 : index
    %swap3A_12 = tpu.vector_load %arg7[%swap3A_11] {strides = array<i32>} : memref<256xf32, #tpu.memory_space<vmem>>, vector<16xf32>,
    tpu.vector_store %arg7[%swap3A_11], %get3A_10 {strides = array<i32>} : memref<256xf32, #tpu.memory_space<vmem>>, vector<16xf32>,
    %get3A_13 = arith.constant 1 : i32
    %get3A_14 = arith.index_cast %get3A_13 : i32 to index
    %get3A_15 = arith.constant 0 : index
    %get3A_16 = tpu.vector_load %arg6[%get3A_14, %get3A_15] {strides = array<i32>} : memref<12x20xf32, #tpu.memory_space<vmem>>, vector<16xf32>,
    %swap3A_17 = arith.constant 21 : index
    %swap3A_18 = tpu.vector_load %arg7[%swap3A_17] {strides = array<i32>} : memref<256xf32, #tpu.memory_space<vmem>>, vector<16xf32>,
    tpu.vector_store %arg7[%swap3A_17], %get3A_16 {strides = array<i32>} : memref<256xf32, #tpu.memory_space<vmem>>, vector<16xf32>,
    %get3A_19 = arith.constant 1 : i32
    %get3A_20 = arith.index_cast %get3A_19 : i32 to index
    %get3A_21 = arith.constant 4 : index
    %get3A_22 = tpu.vector_load %arg6[%get3A_20, %get3A_21] {strides = array<i32>} : memref<12x20xf32, #tpu.memory_space<vmem>>, vector<16xf32>,
    %swap3A_23 = arith.constant 25 : index
    %swap3A_24 = tpu.vector_load %arg7[%swap3A_23] {strides = array<i32>} : memref<256xf32, #tpu.memory_space<vmem>>, vector<16xf32>,
    tpu.vector_store %arg7[%swap3A_23], %get3A_22 {strides = array<i32>} : memref<256xf32, #tpu.memory_space<vmem>>, vector<16xf32>,
    %get3A_25 = arith.constant 2 : i32
    %get3A_26 = arith.index_cast %get3A_25 : i32 to index
    %get3A_27 = arith.constant 0 : index
    %get3A_28 = tpu.vector_load %arg6[%get3A_26, %get3A_27] {strides = array<i32>} : memref<12x20xf32, #tpu.memory_space<vmem>>, vector<16xf32>,
    %swap3A_29 = arith.constant 42 : index
    %swap3A_30 = tpu.vector_load %arg7[%swap3A_29] {strides = array<i32>} : memref<256xf32, #tpu.memory_space<vmem>>, vector<16xf32>,
    tpu.vector_store %arg7[%swap3A_29], %get3A_28 {strides = array<i32>} : memref<256xf32, #tpu.memory_space<vmem>>, vector<16xf32>,
    %get3A_31 = arith.constant 2 : i32
    %get3A_32 = arith.index_cast %get3A_31 : i32 to index
    %get3A_33 = arith.constant 4 : index
    %get3A_34 = tpu.vector_load %arg6[%get3A_32, %get3A_33] {strides = array<i32>} : memref<12x20xf32, #tpu.memory_space<vmem>>, vector<16xf32>,
    %swap3A_35 = arith.constant 46 : index
    %swap3A_36 = tpu.vector_load %arg7[%swap3A_35] {strides = array<i32>} : memref<256xf32, #tpu.memory_space<vmem>>, vector<16xf32>,
    tpu.vector_store %arg7[%swap3A_35], %get3A_34 {strides = array<i32>} : memref<256xf32, #tpu.memory_space<vmem>>, vector<16xf32>,
    %get3A_37 = arith.constant 3 : i32
    %get3A_38 = arith.index_cast %get3A_37 : i32 to index
    %get3A_39 = arith.constant 0 : index
    %get3A_40 = tpu.vector_load %arg6[%get3A_38, %get3A_39] {strides = array<i32>} : memref<12x20xf32, #tpu.memory_space<vmem>>, vector<16xf32>,
    %swap3A_41 = arith.constant 63 : index
    %swap3A_42 = tpu.vector_load %arg7[%swap3A_41] {strides = array<i32>} : memref<256xf32, #tpu.memory_space<vmem>>, vector<16xf32>,
    tpu.vector_store %arg7[%swap3A_41], %get3A_40 {strides = array<i32>} : memref<256xf32, #tpu.memory_space<vmem>>, vector<16xf32>,
    %get3A_43 = arith.constant 3 : i32
    %get3A_44 = arith.index_cast %get3A_43 : i32 to index
    %get3A_45 = arith.constant 4 : index
    %get3A_46 = tpu.vector_load %arg6[%get3A_44, %get3A_45] {strides = array<i32>} : memref<12x20xf32, #tpu.memory_space<vmem>>, vector<16xf32>,
    %swap3A_47 = arith.constant 67 : index
    %swap3A_48 = tpu.vector_load %arg7[%swap3A_47] {strides = array<i32>} : memref<256xf32, #tpu.memory_space<vmem>>, vector<16xf32>,
    tpu.vector_store %arg7[%swap3A_47], %get3A_46 {strides = array<i32>} : memref<256xf32, #tpu.memory_space<vmem>>, vector<16xf32>,
    %get3A_49 = arith.constant 4 : i32
    %get3A_50 = arith.index_cast %get3A_49 : i32 to index
    %get3A_51 = arith.constant 0 : index
    %get3A_52 = tpu.vector_load %arg6[%get3A_50, %get3A_51] {strides = array<i32>} : memref<12x20xf32, #tpu.memory_space<vmem>>, vector<16xf32>,
    %swap3A_53 = arith.constant 84 : index
    %swap3A_54 = tpu.vector_load %arg7[%swap3A_53] {strides = array<i32>} : memref<256xf32, #tpu.memory_space<vmem>>, vector<16xf32>,
    tpu.vector_store %arg7[%swap3A_53], %get3A_52 {strides = array<i32>} : memref<256xf32, #tpu.memory_space<vmem>>, vector<16xf32>,
    %get3A_55 = arith.constant 4 : i32
    %get3A_56 = arith.index_cast %get3A_55 : i32 to index
    %get3A_57 = arith.constant 4 : index
    %get3A_58 = tpu.vector_load %arg6[%get3A_56, %get3A_57] {strides = array<i32>} : memref<12x20xf32, #tpu.memory_space<vmem>>, vector<16xf32>,
    %swap3A_59 = arith.constant 88 : index
    %swap3A_60 = tpu.vector_load %arg7[%swap3A_59] {strides = array<i32>} : memref<256xf32, #tpu.memory_space<vmem>>, vector<16xf32>,
    tpu.vector_store %arg7[%swap3A_59], %get3A_58 {strides = array<i32>} : memref<256xf32, #tpu.memory_space<vmem>>, vector<16xf32>,
    %get3A_61 = arith.constant 5 : i32
    %get3A_62 = arith.index_cast %get3A_61 : i32 to index
    %get3A_63 = arith.constant 0 : index
    %get3A_64 = tpu.vector_load %arg6[%get3A_62, %get3A_63] {strides = array<i32>} : memref<12x20xf32, #tpu.memory_space<vmem>>, vector<16xf32>,
    %swap3A_65 = arith.constant 105 : index
    %swap3A_66 = tpu.vector_load %arg7[%swap3A_65] {strides = array<i32>} : memref<256xf32, #tpu.memory_space<vmem>>, vector<16xf32>,
    tpu.vector_store %arg7[%swap3A_65], %get3A_64 {strides = array<i32>} : memref<256xf32, #tpu.memory_space<vmem>>, vector<16xf32>,
    %get3A_67 = arith.constant 5 : i32
    %get3A_68 = arith.index_cast %get3A_67 : i32 to index
    %get3A_69 = arith.constant 4 : index
    %get3A_70 = tpu.vector_load %arg6[%get3A_68, %get3A_69] {strides = array<i32>} : memref<12x20xf32, #tpu.memory_space<vmem>>, vector<16xf32>,
    %swap3A_71 = arith.constant 109 : index
    %swap3A_72 = tpu.vector_load %arg7[%swap3A_71] {strides = array<i32>} : memref<256xf32, #tpu.memory_space<vmem>>, vector<16xf32>,
    tpu.vector_store %arg7[%swap3A_71], %get3A_70 {strides = array<i32>} : memref<256xf32, #tpu.memory_space<vmem>>, vector<16xf32>,
    %get3A_73 = arith.constant 6 : i32
    %get3A_74 = arith.index_cast %get3A_73 : i32 to index
    %get3A_75 = arith.constant 0 : index
    %get3A_76 = tpu.vector_load %arg6[%get3A_74, %get3A_75] {strides = array<i32>} : memref<12x20xf32, #tpu.memory_space<vmem>>, vector<16xf32>,
    %swap3A_77 = arith.constant 126 : index
    %swap3A_78 = tpu.vector_load %arg7[%swap3A_77] {strides = array<i32>} : memref<256xf32, #tpu.memory_space<vmem>>, vector<16xf32>,
    tpu.vector_store %arg7[%swap3A_77], %get3A_76 {strides = array<i32>} : memref<256xf32, #tpu.memory_space<vmem>>, vector<16xf32>,
    %get3A_79 = arith.constant 6 : i32
    %get3A_80 = arith.index_cast %get3A_79 : i32 to index
    %get3A_81 = arith.constant 4 : index
    %get3A_82 = tpu.vector_load %arg6[%get3A_80, %get3A_81] {strides = array<i32>} : memref<12x20xf32, #tpu.memory_space<vmem>>, vector<16xf32>,
    %swap3A_83 = arith.constant 130 : index
    %swap3A_84 = tpu.vector_load %arg7[%swap3A_83] {strides = array<i32>} : memref<256xf32, #tpu.memory_space<vmem>>, vector<16xf32>,
    tpu.vector_store %arg7[%swap3A_83], %get3A_82 {strides = array<i32>} : memref<256xf32, #tpu.memory_space<vmem>>, vector<16xf32>,
    %get3A_85 = arith.constant 7 : i32
    %get3A_86 = arith.index_cast %get3A_85 : i32 to index
    %get3A_87 = arith.constant 0 : index
    %get3A_88 = tpu.vector_load %arg6[%get3A_86, %get3A_87] {strides = array<i32>} : memref<12x20xf32, #tpu.memory_space<vmem>>, vector<16xf32>,
    %swap3A_89 = arith.constant 147 : index
    %swap3A_90 = tpu.vector_load %arg7[%swap3A_89] {strides = array<i32>} : memref<256xf32, #tpu.memory_space<vmem>>, vector<16xf32>,
    tpu.vector_store %arg7[%swap3A_89], %get3A_88 {strides = array<i32>} : memref<256xf32, #tpu.memory_space<vmem>>, vector<16xf32>,
    %get3A_91 = arith.constant 7 : i32
    %get3A_92 = arith.index_cast %get3A_91 : i32 to index
    %get3A_93 = arith.constant 4 : index
    %get3A_94 = tpu.vector_load %arg6[%get3A_92, %get3A_93] {strides = array<i32>} : memref<12x20xf32, #tpu.memory_space<vmem>>, vector<16xf32>,
    %swap3A_95 = arith.constant 151 : index
    %swap3A_96 = tpu.vector_load %arg7[%swap3A_95] {strides = array<i32>} : memref<256xf32, #tpu.memory_space<vmem>>, vector<16xf32>,
    tpu.vector_store %arg7[%swap3A_95], %get3A_94 {strides = array<i32>} : memref<256xf32, #tpu.memory_space<vmem>>, vector<16xf32>,
    %get3A_97 = arith.constant 8 : i32
    %get3A_98 = arith.index_cast %get3A_97 : i32 to index
    %get3A_99 = arith.constant 0 : index
    %get3A_100 = tpu.vector_load %arg6[%get3A_98, %get3A_99] {strides = array<i32>} : memref<12x20xf32, #tpu.memory_space<vmem>>, vector<16xf32>,
    %swap3A_101 = arith.constant 168 : index
    %swap3A_102 = tpu.vector_load %arg7[%swap3A_101] {strides = array<i32>} : memref<256xf32, #tpu.memory_space<vmem>>, vector<16xf32>,
    tpu.vector_store %arg7[%swap3A_101], %get3A_100 {strides = array<i32>} : memref<256xf32, #tpu.memory_space<vmem>>, vector<16xf32>,
    %get3A_103 = arith.constant 8 : i32
    %get3A_104 = arith.index_cast %get3A_103 : i32 to index
    %get3A_105 = arith.constant 4 : index
    %get3A_106 = tpu.vector_load %arg6[%get3A_104, %get3A_105] {strides = array<i32>} : memref<12x20xf32, #tpu.memory_space<vmem>>, vector<16xf32>,
    %swap3A_107 = arith.constant 172 : index
    %swap3A_108 = tpu.vector_load %arg7[%swap3A_107] {strides = array<i32>} : memref<256xf32, #tpu.memory_space<vmem>>, vector<16xf32>,
    tpu.vector_store %arg7[%swap3A_107], %get3A_106 {strides = array<i32>} : memref<256xf32, #tpu.memory_space<vmem>>, vector<16xf32>,
    %get3A_109 = arith.constant 9 : i32
    %get3A_110 = arith.index_cast %get3A_109 : i32 to index
    %get3A_111 = arith.constant 0 : index
    %get3A_112 = tpu.vector_load %arg6[%get3A_110, %get3A_111] {strides = array<i32>} : memref<12x20xf32, #tpu.memory_space<vmem>>, vector<16xf32>,
    %swap3A_113 = arith.constant 189 : index
    %swap3A_114 = tpu.vector_load %arg7[%swap3A_113] {strides = array<i32>} : memref<256xf32, #tpu.memory_space<vmem>>, vector<16xf32>,
    tpu.vector_store %arg7[%swap3A_113], %get3A_112 {strides = array<i32>} : memref<256xf32, #tpu.memory_space<vmem>>, vector<16xf32>,
    %get3A_115 = arith.constant 9 : i32
    %get3A_116 = arith.index_cast %get3A_115 : i32 to index
    %get3A_117 = arith.constant 4 : index
    %get3A_118 = tpu.vector_load %arg6[%get3A_116, %get3A_117] {strides = array<i32>} : memref<12x20xf32, #tpu.memory_space<vmem>>, vector<16xf32>,
    %swap3A_119 = arith.constant 193 : index
    %swap3A_120 = tpu.vector_load %arg7[%swap3A_119] {strides = array<i32>} : memref<256xf32, #tpu.memory_space<vmem>>, vector<16xf32>,
    tpu.vector_store %arg7[%swap3A_119], %get3A_118 {strides = array<i32>} : memref<256xf32, #tpu.memory_space<vmem>>, vector<16xf32>,
    %get3A_121 = arith.constant 10 : i32
    %get3A_122 = arith.index_cast %get3A_121 : i32 to index
    %get3A_123 = arith.constant 0 : index
    %get3A_124 = tpu.vector_load %arg6[%get3A_122, %get3A_123] {strides = array<i32>} : memref<12x20xf32, #tpu.memory_space<vmem>>, vector<16xf32>,
    %swap3A_125 = arith.constant 210 : index
    %swap3A_126 = tpu.vector_load %arg7[%swap3A_125] {strides = array<i32>} : memref<256xf32, #tpu.memory_space<vmem>>, vector<16xf32>,
    tpu.vector_store %arg7[%swap3A_125], %get3A_124 {strides = array<i32>} : memref<256xf32, #tpu.memory_space<vmem>>, vector<16xf32>,
    %get3A_127 = arith.constant 10 : i32
    %get3A_128 = arith.index_cast %get3A_127 : i32 to index
    %get3A_129 = arith.constant 4 : index
    %get3A_130 = tpu.vector_load %arg6[%get3A_128, %get3A_129] {strides = array<i32>} : memref<12x20xf32, #tpu.memory_space<vmem>>, vector<16xf32>,
    %swap3A_131 = arith.constant 214 : index
    %swap3A_132 = tpu.vector_load %arg7[%swap3A_131] {strides = array<i32>} : memref<256xf32, #tpu.memory_space<vmem>>, vector<16xf32>,
    tpu.vector_store %arg7[%swap3A_131], %get3A_130 {strides = array<i32>} : memref<256xf32, #tpu.memory_space<vmem>>, vector<16xf32>,
    %get3A_133 = arith.constant 11 : i32
    %get3A_134 = arith.index_cast %get3A_133 : i32 to index
    %get3A_135 = arith.constant 0 : index
    %get3A_136 = tpu.vector_load %arg6[%get3A_134, %get3A_135] {strides = array<i32>} : memref<12x20xf32, #tpu.memory_space<vmem>>, vector<16xf32>,
    %swap3A_137 = arith.constant 231 : index
    %swap3A_138 = tpu.vector_load %arg7[%swap3A_137] {strides = array<i32>} : memref<256xf32, #tpu.memory_space<vmem>>, vector<16xf32>,
    tpu.vector_store %arg7[%swap3A_137], %get3A_136 {strides = array<i32>} : memref<256xf32, #tpu.memory_space<vmem>>, vector<16xf32>,
    %get3A_139 = arith.constant 11 : i32
    %get3A_140 = arith.index_cast %get3A_139 : i32 to index
    %get3A_141 = arith.constant 4 : index
    %get3A_142 = tpu.vector_load %arg6[%get3A_140, %get3A_141] {strides = array<i32>} : memref<12x20xf32, #tpu.memory_space<vmem>>, vector<16xf32>,
    %swap3A_143 = arith.constant 235 : index
    %swap3A_144 = tpu.vector_load %arg7[%swap3A_143] {strides = array<i32>} : memref<256xf32, #tpu.memory_space<vmem>>, vector<16xf32>,
    tpu.vector_store %arg7[%swap3A_143], %get3A_142 {strides = array<i32>} : memref<256xf32, #tpu.memory_space<vmem>>, vector<16xf32>,
    "tpu.region"() ({
      %run_scoped3A = tpu.sem_alloc : memref<!tpu.dma_semaphore, #tpu.memory_space<semaphore_mem>>
      %dma_start3A = arith.constant 0 : i32
      %dma_start3A_145 = tpu.memref_slice %arg4[%dma_start3A, %mul3A_2] : memref<20x16384xf32, #tpu.memory_space<hbm>> -> memref<20x512xf32, #tpu.memory_space<hbm>>
      %dma_start3A_146 = arith.constant 0 : i32
      %dma_start3A_147 = tpu.memref_slice %arg4[%dma_start3A_146, %mul3A_2] : memref<20x16384xf32, #tpu.memory_space<hbm>> -> memref<20x512xf32, #tpu.memory_space<hbm>>
      tpu.enqueue_dma source(%arg8 : memref<20x512xf32, #tpu.memory_space<vmem>>) target(%dma_start3A_147 : memref<20x512xf32, #tpu.memory_space<hbm>>) target_semaphore(%run_scoped3A : memref<!tpu.dma_semaphore, #tpu.memory_space<semaphore_mem>>)
      %dma_wait3A = arith.constant 0 : i32
      %dma_wait3A_148 = tpu.memref_slice %arg4[%dma_wait3A, %mul3A_2] : memref<20x16384xf32, #tpu.memory_space<hbm>> -> memref<20x512xf32, #tpu.memory_space<hbm>>
      %dma_wait3A_149 = arith.constant 0 : i32
      %dma_wait3A_150 = tpu.memref_slice %arg4[%dma_wait3A_149, %mul3A_2] : memref<20x16384xf32, #tpu.memory_space<hbm>> -> memref<20x512xf32, #tpu.memory_space<hbm>>
      tpu.wait_dma2 semaphore(%run_scoped3A : memref<!tpu.dma_semaphore, #tpu.memory_space<semaphore_mem>>) src(%arg8 : memref<20x512xf32, #tpu.memory_space<vmem>>) dst(%dma_wait3A_150 : memref<20x512xf32, #tpu.memory_space<hbm>>)
      tpu.yield
    }) : () -> ()
    return
  }
}

</mosaic_0001>

<sc_bundles>
// kernel: kernel.3.cloned.1.call-start
scs
__scs_entry_jumppad:
0x0: {  	(pc) =	sbr.rel $0x88, $3  }
0x1: {  	(tag) =	ssettag $0x0;
	lr =	simm.s32 $0x1  }
0x2: {  	[smem:$0x3F9F] =	sst lr;
	_ =	strace $0xD0000000  }
0x3: {  	_ = 	snop  }
0x4: {  	_ = 	snop  }
0x5: {  	_ = 	snop  }
0x6: {  	_ = 	snop  }
0x7: {  	_ = 	snop  }
__scs_overlays_trampoline_lowered:
0x8: {  	[smem:$0x3FAE] =	sst s0  }
0x9: {  	[smem:$0x3FAF] =	sst s1  }
0xa: {  	[smem:$0x3FB0] =	sst s2  }
0xb: {  	[smem:$0x3FB1] =	sst s3  }
0xc: {  	[smem:$0x3FB2] =	sst s4  }
0xd: {  	[smem:$0x3FB3] =	sst s5  }
0xe: {  	[smem:$0x3FB4] =	sst s6  }
0xf: {  	[smem:$0x3FB5] =	sst s7  }
0x10: {  	[smem:$0x3FB6] =	sst s8  }
0x11: {  	[smem:$0x3FB7] =	sst s9;
	s0 =	simm.s32 @!p0 $0x0  }
0x12: {  	s1 =	sld [smem:$0x3F9D];
	s0 =	simm.s32 @p0 $0x1  }
0x13: {  	[smem:$0x3FB8] =	sst s0;
	s0 =	simm.s32 @!p1 $0x0  }
0x14: {  	s2 =	sld [smem:$0x3F9C];
	s0 =	simm.s32 @p1 $0x1  }
0x15: {  	[smem:$0x3FB9] =	sst s0;
	s0 =	simm.s32 @!p2 $0x0  }
0x16: {  	s3 =	sld [smem:$0x3FDB];
	s0 =	simm.s32 @p2 $0x1  }
0x17: {  	s4 =	simm.s32 $0x1BF5;
	[smem:$0x3FBB] =	sst s0  }
0x18: {  	s0 =	sld [smem:$0x3F9E];
	_ =	swait.ge [sflag:s4], $0x0  }
0x19: {  	s7 =	sld [smem:$0x3F9F]  }
0x1a: {  	s8 =	sadd.s32 $0xFFFFE003, lr  }
0x1b: {  	s9 =	sadd.s32 $0xFFFFFEF7, lr;
	s5 =	simm.s32 $0xFFFFFFFF;
	p2 =	slt.u32 s8, $0xFFFFF086  }
0x1c: {  	p1 =	slt.u32 s9, $0xF7A;
	s5 =	simm.s32 @!p2 $0x0  }
0x1d: {  	s5 =	simm.s32 @p1 $0x1;
	p0 =	seq.s32 s7, s2  }
0x1e: {  	s7 =	smul.u32 @!p0 $0xF7A, s2;
	p2 =	seq.s32 @!p0 s5, $0x0  }
0x1f: {  	s9 =	smul.u32 $0xF7A, s1;
	s8 =	simm.s32 @!p0 $0x1BF5;
	p2 =	por !p2, p0  }
0x20: {  	[sflag:s8] =	ssyncset.s32 @!p0 $0xFFFFF086;
	s6 =	sadd.s32 @!p0 s3, s7;
	s7 =	simm.s32 @!p0 $0x108  }
0x21: {  	s3 =	sadd.s32 s3, s9;
	s6 =	sadd.s32 @!p0 $0x88, s6;
	s7 =	simm.s32 @p2 $0x1082  }
0x22: {  	[simem:s7], [sflag:s8] =	dma.local @!p0 [hbm:s6], $0xF7A  }
0x23: {  	s9 =	sor.u32 $0xD0000000, s2;
	s6 =	simm.s32 $0x108;
	_ =	swait.ge @!p0 [sflag:s8], $0x0  }
0x24: {  	s3 =	sadd.s32 $0x88, s3;
	s6 =	simm.s32 @!p1 $0x1082;
	[sflag:s4] =	ssyncset.s32 $0xFFFFF086  }
0x25: {  	[simem:s6], [sflag:s4] =	dma.local [hbm:s3], $0xF7A  }
0x26: {  	[smem:$0x3F9F] =	sst s1;
	(tag) =	ssettag s2;
	_ =	strace s9  }
0x27: {  	s1 =	sld [smem:$0x3FAF]  }
0x28: {  	s2 =	sld [smem:$0x3FB0]  }
0x29: {  	s4 =	sld [smem:$0x3FB2]  }
0x2a: {  	p0 =	seq.s32 s5, $0x0;
	s5 =	sld [smem:$0x3FB3]  }
0x2b: {  	s6 =	sld [smem:$0x3FB4]  }
0x2c: {  	s7 =	sld [smem:$0x3FB5]  }
0x2d: {  	s3 =	simm.s32 $0x108;
	s8 =	sld [smem:$0x3FB6]  }
0x2e: {  	s3 =	simm.s32 @!p0 $0x1082;
	s9 =	sld [smem:$0x3FB7]  }
0x2f: {  	lr =	sadd.s32 s0, s3;
	s0 =	sld [smem:$0x3FAE]  }
0x30: {  	s3 =	sld [smem:$0x3FB1]  }
0x31: {  	[smem:$0x3FBA] =	sst s10  }
0x32: {  	s10 =	sld [smem:$0x3FB8];
	_ =	sdelay $0x3  }
0x33: {  	p0 =	seq.s32 s10, $0x1;
	s10 =	sld [smem:$0x3FBA];
	_ =	sdelay $0x3  }
0x34: {  	[smem:$0x3FBA] =	sst s10  }
0x35: {  	s10 =	sld [smem:$0x3FB9];
	_ =	sdelay $0x3  }
0x36: {  	p1 =	seq.s32 s10, $0x1;
	s10 =	sld [smem:$0x3FBA];
	_ =	sdelay $0x3  }
0x37: {  	[smem:$0x3FBA] =	sst s10  }
0x38: {  	s10 =	sld [smem:$0x3FBB]  }
0x39: {  	_ = 	snop;
	(pc) =	sbr.ind lr, $3  }
0x3a: {  	_ = 	snop  }
0x3b: {  	_ = 	snop  }
0x3c: {  	p2 =	seq.s32 s10, $0x1;
	s10 =	sld [smem:$0x3FBA]  }
0x3d: {  	_ =	shalt  }
0x3e: {  	_ =	shalt  }
0x3f: {  	_ =	shalt  }
0x40: {  	_ =	shalt  }
0x41: {  	_ =	shalt  }
0x42: {  	_ =	shalt  }
0x43: {  	_ =	shalt  }
0x44: {  	_ =	shalt  }
0x45: {  	_ =	shalt  }
0x46: {  	_ =	shalt  }
0x47: {  	_ =	shalt  }
0x48: {  	_ =	shalt  }
0x49: {  	_ =	shalt  }
0x4a: {  	_ =	shalt  }
0x4b: {  	_ =	shalt  }
0x4c: {  	_ =	shalt  }
0x4d: {  	_ =	shalt  }
0x4e: {  	_ =	shalt  }
0x4f: {  	_ =	shalt  }
0x50: {  	_ =	shalt  }
0x51: {  	_ =	shalt  }
0x52: {  	_ =	shalt  }
0x53: {  	_ =	shalt  }
0x54: {  	_ =	shalt  }
0x55: {  	_ =	shalt  }
0x56: {  	_ =	shalt  }
0x57: {  	_ =	shalt  }
0x58: {  	_ =	shalt  }
0x59: {  	_ =	shalt  }
0x5a: {  	_ =	shalt  }
0x5b: {  	_ =	shalt  }
0x5c: {  	_ =	shalt  }
0x5d: {  	_ =	shalt  }
0x5e: {  	_ =	shalt  }
0x5f: {  	_ =	shalt  }
0x60: {  	_ =	shalt  }
0x61: {  	_ =	shalt  }
0x62: {  	_ =	shalt  }
0x63: {  	_ =	shalt  }
0x64: {  	_ =	shalt  }
0x65: {  	_ =	shalt  }
0x66: {  	_ =	shalt  }
0x67: {  	_ =	shalt  }
0x68: {  	_ =	shalt  }
0x69: {  	_ =	shalt  }
0x6a: {  	_ =	shalt  }
0x6b: {  	_ =	shalt  }
0x6c: {  	_ =	shalt  }
0x6d: {  	_ =	shalt  }
0x6e: {  	_ =	shalt  }
0x6f: {  	_ =	shalt  }
0x70: {  	_ =	shalt  }
0x71: {  	_ =	shalt  }
0x72: {  	_ =	shalt  }
0x73: {  	_ =	shalt  }
0x74: {  	_ =	shalt  }
0x75: {  	_ =	shalt  }
0x76: {  	_ =	shalt  }
0x77: {  	_ =	shalt  }
0x78: {  	_ =	shalt  }
0x79: {  	_ =	shalt  }
0x7a: {  	_ =	shalt  }
0x7b: {  	_ =	shalt  }
0x7c: {  	_ =	shalt  }
0x7d: {  	_ =	shalt  }
0x7e: {  	_ =	shalt  }
0x7f: {  	_ =	shalt  }
0x80: {  	_ =	shalt  }
0x81: {  	_ =	shalt  }
0x82: {  	_ =	shalt  }
0x83: {  	_ =	shalt  }
0x84: {  	_ =	shalt  }
0x85: {  	_ =	shalt  }
0x86: {  	_ =	shalt  }
0x87: {  	_ =	shalt  }
.Lfunc_end0:
.L_simem_size_0:
called_computation_lowered:
.L_overlay_start_0:
0x88: {  	s2 =	sld [smem:$0x3FD9]  }
0x89: {  	s3 =	sld [smem:$0x3FFE];
	_ =	sdelay $0x1  }
0x8a: {  	s1 =	srdreg.scid  }
0x8b: {  	s0 =	sand.u32 $0x1, s1  }
0x8c: {  	s18 =	sshll.u32 s0, $0xA;
	s2 =	sadd.s32 s3, s2  }
0x8d: {  	s2 =	sadd.s32 s2, s18  }
0x8e: {  	[smem:$0x3FC6] =	sst s2  }
0x8f: {  	_ = 	snop  }
0x90: {  	s2 =	sld [smem:$0x3FC9]  }
0x91: {  	s19 =	sld [smem:$0x3FC8]  }
0x92: {  	s4 =	sld [smem:$0x3FD0];
	(tm) =	ssettm $0x1  }
0x93: {  	s5 =	sld [smem:$0x3FFB];
	_ =	sdelay $0x3  }
0x94: {  	_ =	strace s5  }
0x95: {  	s5 =	sld [smem:$0x3FFC];
	_ =	sdelay $0x3  }
0x96: {  	_ =	strace s5  }
0x97: {  	s5 =	sld [smem:$0x3FFD];
	_ =	sdelay $0x3  }
0x98: {  	_ =	strace s5  }
0x99: {  	_ =	strace $0x8FFFFFFF  }
0x9a: {  	s20 =	sld [smem:$0x3FDB];
	_ =	sdelay $0x1  }
0x9b: {  	s6 =	simm.s32 $_scs_section_size  }
0x9c: {  	s7 =	simm.s32 $_size__tile_overlayer_lowered;
	s8 =	simm.s32 $_tile_overlayer_lowered  }
0x9d: {  	s23 =	simm.s32 $0x1BFF;
	s22 =	sshll.u32 s8, $0x1;
	s5 =	sadd.s32 s6, s20  }
0x9e: {  	s9 =	simm.s32 $0x0;
	s21 =	sshll.u32 s7, $0x1;
	s7 =	sadd.s32 s22, s5  }
0x9f: {  	[timem:s9], [sflag:s23] =	dma.local [hbm:s7], s21  }
0xa0: {  	_ =	swait.ge [sflag:s23], s21  }
0xa1: {  	s6 =	ssub.s32 $0x0, s21;
	[sflag:s23] =	ssyncset.done $0x0  }
0xa2: {  	[sflag:s23] =	ssyncadd.s32 s6;
	_ =	sdelay $0x1  }
0xa3: {  	s24 =	simm.s32 $0x1B8B  }
0xa4: {  	_ =	swait.ge [sflag:s24], $0x1  }
0xa5: {  	[sflag:s24] =	ssyncset.done $0x0  }
0xa6: {  	s25 =	simm.s32 $0x1B8E;
	[sflag:s24] =	ssyncadd.s32 $0xFFFFFFFF  }
0xa7: {  	s26 =	simm.s32 $execute0_lowered;
	[smem:$0x3FD2] =	sst s25  }
0xa8: {  	s6 =	sshll.u32 s26, $0x1;
	_ =	strace $0x80000046;
	[dreg:$0x1] =	wrdreg $0xFFFFFFFF  }
0xa9: {  	s28 =	simm.s32 $_size_execute0_lowered;
	s5 =	sadd.s32 s5, s6;
	[dreg:$0x0] =	wrdreg $0x0  }
0xaa: {  	s6 =	sshll.u32 s28, $0x1;
	[dreg:$0x2] =	wrdreg s5  }
0xab: {  	[dreg:$0x3] =	wrdreg s6  }
0xac: {  	[dreg:$0x4] =	wrdreg $0xC0  }
0xad: {  	_ =	task [dreg:s9], $0x5FFFF  }
0xae: {  	[dreg:$0x1] =	wrdreg $0xFFFFFFFF  }
0xaf: {  	[dreg:$0x0] =	wrdreg $0x60  }
0xb0: {  	[dreg:$0x2] =	wrdreg s2  }
0xb1: {  	[dreg:$0x3] =	wrdreg s19  }
0xb2: {  	[dreg:$0x4] =	wrdreg s4  }
0xb3: {  	[dreg:$0x5] =	wrdreg $0x9  }
0xb4: {  	_ =	task.clear_ibuf [dreg:s9], $0x6FFFF;
	_ =	strace $0x90000046  }
0xb5: {  	s29 =	simm.s32 $0x9;
	_ =	strace $0x80000048  }
0xb6: {  	_ =	swait.ge [sflag:s29], $0x1  }
0xb7: {  	[sflag:s29] =	ssyncadd.s32 $0xFFFFFFFF  }
0xb8: {  	_ =	strace $0x90000048  }
0xb9: {  	_ =	sfence  }
0xba: {  	s30 =	sld [smem:$0x0];
	_ =	sdelay $0x2  }
0xbb: {  	s31 =	sshll.u32 s1, $0xD;
	s1 =	sshrl.u32 s1, $0x2  }
0xbc: {  	s3 =	sand.u32 $0x4000, s31;
	s1 =	sadd.s32 s1, s30  }
0xbd: {  	s0 =	sor.u32 s3, s0;
	s1 =	sshll.u32 s1, $0x11  }
0xbe: {  	s0 =	sor.u32 s1, s0  }
0xbf: {  	s0 =	sadd.s32 $0x8F2B, s0  }
0xc0: {  	[sflag:s0] =	ssyncadd.remote.s32 $0x1  }
0xc1: {  	_ =	sfence.sel $0xFFFF  }
0xc2: {  	[dreg:$0x0] =	wrdreg $0xFFFFFFFF;
	(pc) =	sbr.abs _section_cstart, $3  }
0xc3: {  	[dreg:$0x1] =	wrdreg $0xFFFFFFFF  }
0xc4: {  	_ =	task.clear_ibuf [dreg:s9], $0x2FFFF;
	_ =	strace $0x9FFFFFFF  }
0xc5: {  	(tm) =	ssettm $0x7FFFFFFF  }
tec
execute0_lowered:
.L_overlay_start_1:
0x0: {  	(tag) =	ssettag $0x1  }
0x1: {  	s2 =	rddreg [dreg:$0x0];
	s1 =	srdreg.scid  }
0x2: {  	s7 =	rddreg [dreg:$0x1];
	s0 =	stileid.u32;
	s3 =	sand.u32 $0x1, s1  }
0x3: {  	s4 =	rddreg [dreg:$0x2];
	s5 =	sshll.u32 s0, $0xA;
	s6 =	sshll.u32 s3, $0x9  }
0x4: {  	s8 =	simm.s32 $0x0;
	s1 =	rddreg [dreg:$0x3];
	s5 =	sor.u32 s6, s5  }
0x5: {  	[smem:$0x7FF] =	sst s8;
	s6 =	sshrl.u32 s5, $0x3  }
0x6: {  	_ =	strace $0x80000047;
	s9 =	sadd.s32 s2, s6;
	s2 =	simm.s32 $0x1  }
0x7: {  	[tilespmem:s8], [sflag:$0x1] =	stream.linear.gather [hbm4b:s9+s8], $0x200, $0x38;
	[tilespmem:$0x3B00] =	vst v63  }
0x8: {  	s3 =	ssub.s32 $0x2, s3;
	_ =	swait.ge [sflag:s2], $0x200  }
0x9: {  	s31 =	sshrl.u32 s3, $0x1;
	[sflag:s2] =	ssyncset.done $0x0  }
0xa: {  	s10 =	simm.s32 $0x200;
	s3 =	ssub.s32 s3, s31;
	[sflag:s2] =	ssyncadd.s32 $0xFFFFFE00  }
0xb: {  	[tilespmem:s10], [sflag:$0x1] =	stream.linear.gather [hbm4b:s7+s8], $0x600, $0x38;
	[tilespmem:$0x3B00] =	vst v63  }
0xc: {  	s11 =	smax.u32 s3, $0x1;
	_ =	swait.ge [sflag:s2], $0x600  }
0xd: {  	p0 =	sne.s32 s11, $0x1;
	[sflag:s2] =	ssyncset.done $0x0  }
.Ltmp0:
0xe: {  	[sflag:s2] =	ssyncadd.s32 $0xFFFFFA00;
	(pc) =	sbr.rel @!p0 .LBB2_2-.Ltmp0, $4  }
0xf: {  	v0 =	vld [tilespmem:$0x680]  }
0x10: {  	v3 =	vld [tilespmem:$0x780]  }
0x11: {  	s3 =	sadd.s32 s4, s5;
	s4 =	simm.s32 $0x1000;
	v1 =	vld [tilespmem:$0x580]  }
0x12: {  	s5 =	simm.s32 $0x20000;
	s6 =	simm.s32 $0xB00;
	s11 =	sadd.s32 $0xFFFFFFFF, s11;
	v2 =	vld [tilespmem:$0x604]  }
.LBB2_1:
0x13: {  	p0 =	sne.s32 s11, $0x1;
	s11 =	sadd.s32 $0xFFFFFFFF, s11;
	v4 =	vld [tilespmem:$0x600]  }
0x14: {  	v5 =	vld [tilespmem:$0x584]  }
0x15: {  	v6 =	vld [tilespmem:$0x280];
	[tilespmem:$0xAE7] =	vst v3  }
0x16: {  	v3 =	vld [tilespmem:$0x484]  }
0x17: {  	v7 =	vld [tilespmem:$0x204]  }
0x18: {  	v8 =	vld [tilespmem:$0x480];
	[tilespmem:$0xAA8] =	vst v4  }
0x19: {  	v4 =	vld [tilespmem:$0x404];
	[tilespmem:$0xAAC] =	vst v2  }
0x1a: {  	v2 =	vld [tilespmem:$0x200];
	[tilespmem:$0xA93] =	vst v1  }
0x1b: {  	v1 =	vld [tilespmem:$0x400];
	[tilespmem:$0xA97] =	vst v5  }
0x1c: {  	[tilespmem:$0xA15] =	vst v6;
	v5 =	vld [tilespmem:$0x380]  }
0x1d: {  	v6 =	vld [tilespmem:$0x300];
	[tilespmem:$0xA69] =	vst v8  }
0x1e: {  	[tilespmem:$0xA6D] =	vst v3;
	v3 =	vld [tilespmem:$0x784]  }
0x1f: {  	[tilespmem:$0xA00] =	vst v2;
	v2 =	vld [tilespmem:$0x704]  }
0x20: {  	[tilespmem:$0xA54] =	vst v1;
	v1 =	vld [tilespmem:$0x700]  }
0x21: {  	[tilespmem:$0xA3F] =	vst v5;
	v5 =	vld [tilespmem:$0x500]  }
0x22: {  	[tilespmem:$0xA04] =	vst v7;
	v7 =	vld [tilespmem:$0x284]  }
0x23: {  	[tilespmem:$0xA2A] =	vst v6;
	v6 =	vld [tilespmem:$0x384]  }
0x24: {  	v8 =	vld [tilespmem:$0x304];
	[tilespmem:$0xA58] =	vst v4  }
0x25: {  	v4 =	vld [tilespmem:$0x504];
	[tilespmem:$0xABD] =	vst v0  }
0x26: {  	[tilespmem:$0xAEB] =	vst v3  }
0x27: {  	[tilespmem:$0xA7E] =	vst v5  }
0x28: {  	[tilespmem:$0xA19] =	vst v7  }
0x29: {  	v0 =	vld [tilespmem:$0x684];
	[tilespmem:$0xAD2] =	vst v1  }
0x2a: {  	[tilespmem:$0xA43] =	vst v6  }
0x2b: {  	[tilespmem:$0xAD6] =	vst v2  }
0x2c: {  	[tilespmem:$0xA2E] =	vst v8  }
0x2d: {  	[tilespmem:$0xA82] =	vst v4  }
0x2e: {  	[tilespmem:$0xAC1] =	vst v0  }
0x2f: {  	[hbm4b:s3+s4] =	stream.strided.scatter [tilespmem:s6], [sflag:$0x1], $0x3000, s5, s4, $0x38;
	[tilespmem:$0x3B00] =	vst v63  }
0x30: {  	_ =	swait.ge [sflag:s2], $0x3000  }
0x31: {  	[sflag:s2] =	ssyncset.done $0x0  }
0x32: {  	[sflag:s2] =	ssyncadd.s32 $0xFFFFD000  }
0x33: {  	[tilespmem:s8], [sflag:$0x1] =	stream.linear.gather [hbm4b:s9+s8], $0x200, $0x38;
	[tilespmem:$0x3B00] =	vst v63  }
0x34: {  	_ =	swait.ge [sflag:s2], $0x200  }
0x35: {  	[sflag:s2] =	ssyncset.done $0x0  }
0x36: {  	[sflag:s2] =	ssyncadd.s32 $0xFFFFFE00  }
0x37: {  	[tilespmem:s10], [sflag:$0x1] =	stream.linear.gather [hbm4b:s7+s8], $0x600, $0x38;
	[tilespmem:$0x3B00] =	vst v63  }
0x38: {  	_ =	swait.ge [sflag:s2], $0x600  }
0x39: {  	[sflag:s2] =	ssyncset.done $0x0  }
.Ltmp1:
0x3a: {  	[sflag:s2] =	ssyncadd.s32 $0xFFFFFA00;
	(pc) =	sbr.rel @p0 .LBB2_1-.Ltmp1, $4  }
0x3b: {  	v0 =	vld [tilespmem:$0x680]  }
0x3c: {  	v3 =	vld [tilespmem:$0x780]  }
0x3d: {  	v1 =	vld [tilespmem:$0x580]  }
0x3e: {  	v2 =	vld [tilespmem:$0x604]  }
.LBB2_2:
0x3f: {  	v4 =	vld [tilespmem:$0x600]  }
0x40: {  	v5 =	vld [tilespmem:$0x584]  }
0x41: {  	v6 =	vld [tilespmem:$0x280];
	[tilespmem:$0xABD] =	vst v0  }
0x42: {  	v47 =	vld [tilespmem:$0x480];
	[tilespmem:$0xAE7] =	vst v3  }
0x43: {  	v49 =	vld [tilespmem:$0x200];
	[tilespmem:$0xA93] =	vst v1  }
0x44: {  	v50 =	vld [tilespmem:$0x400];
	[tilespmem:$0xAA8] =	vst v4  }
0x45: {  	v51 =	vld [tilespmem:$0x380];
	[tilespmem:$0xA97] =	vst v5  }
0x46: {  	v53 =	vld [tilespmem:$0x300];
	[tilespmem:$0xA15] =	vst v6  }
0x47: {  	v55 =	vld [tilespmem:$0x784];
	[tilespmem:$0xA69] =	vst v47  }
0x48: {  	v56 =	vld [tilespmem:$0x500];
	[tilespmem:$0xA00] =	vst v49  }
0x49: {  	v58 =	vld [tilespmem:$0x700];
	[tilespmem:$0xA54] =	vst v50  }
0x4a: {  	v63 =	vld [tilespmem:$0x684];
	[tilespmem:$0xA3F] =	vst v51  }
0x4b: {  	[tilespmem:$0xA2A] =	vst v53  }
0x4c: {  	v48 =	vld [tilespmem:$0x484];
	[tilespmem:$0xAEB] =	vst v55  }
0x4d: {  	v52 =	vld [tilespmem:$0x204];
	[tilespmem:$0xA7E] =	vst v56  }
0x4e: {  	v54 =	vld [tilespmem:$0x404];
	[tilespmem:$0xAD2] =	vst v58  }
0x4f: {  	v57 =	vld [tilespmem:$0x284];
	[tilespmem:$0xAC1] =	vst v63  }
0x50: {  	v59 =	vld [tilespmem:$0x384];
	[tilespmem:$0xAAC] =	vst v2  }
0x51: {  	v60 =	vld [tilespmem:$0x704];
	[tilespmem:$0xA6D] =	vst v48  }
0x52: {  	v61 =	vld [tilespmem:$0x304];
	[tilespmem:$0xA04] =	vst v52  }
0x53: {  	v62 =	vld [tilespmem:$0x504];
	[tilespmem:$0xA58] =	vst v54  }
0x54: {  	[tilespmem:$0xA19] =	vst v57  }
0x55: {  	[tilespmem:$0xA43] =	vst v59  }
0x56: {  	[tilespmem:$0xAD6] =	vst v60  }
0x57: {  	[tilespmem:$0xA2E] =	vst v61  }
0x58: {  	[tilespmem:$0xA82] =	vst v62  }
0x59: {  	[hbm4b:s3+s4] =	stream.strided.scatter [tilespmem:s6], [sflag:$0x1], $0x3000, s5, s4, $0x38;
	[tilespmem:$0x3B00] =	vst v63  }
0x5a: {  	_ =	swait.ge [sflag:s2], $0x3000  }
0x5b: {  	[sflag:s2] =	ssyncset.done $0x0  }
0x5c: {  	[sflag:s2] =	ssyncadd.s32 $0xFFFFD000  }
0x5d: {  	_ =	sfence.sel $0x180000  }
0x5e: {  	[bflag:$0x0] =	sbarrier.arrive $0xFFFF  }
0x5f: {  	p0 =	sne.s32 s0, $0x0;
	_ =	strace $0x90000047  }
0x60: {  	s0 =	sadd.s32 @!p0 $0x100000, s1;
	[bflag:$0x2] =	sbarrier.arrive $0xFFFF  }
0x61: {  	[sflag:s0] =	ssyncadd.tile.s32 @!p0 $0x1;
	_ =	shalt  }
.Lfunc_end2:
_tile_overlayer_lowered:
.L_overlay_start_2:
0x62: {  	(tag) =	ssettag $0x2  }
0x63: {  	s0 =	rddreg [dreg:$0x0];
	s2 =	stileid.u32  }
0x64: {  	s1 =	rddreg [dreg:$0x1];
	p0 =	sne.s32 s2, $0x0  }
0x65: {  	s3 =	rddreg [dreg:$0x2];
	[bflag:$0x3] =	sbarrier.arrive $0xFFFF;
	s2 =	simm.s32 @!p0 $0x1C01  }
0x66: {  	[timem:s3], [sflag:s2] =	dma.local @!p0 [hbm:s0], s1  }
0x67: {  	s0 =	simm.s32 @!p0 $0x1  }
0x68: {  	_ =	swait.ge @!p0 [sflag:s0], s1  }
0x69: {  	s1 =	ssub.s32 @!p0 $0x0, s1;
	[sflag:s0] =	ssyncset.done @!p0 $0x0  }
0x6a: {  	[sflag:s0] =	ssyncadd.s32 @!p0 s1  }
0x6b: {  	[bflag:$0x3] =	sbarrier.arrive $0xFFFF  }
0x6c: {  	_ =	shalt  }

</sc_bundles>
